<compile_context>
chip_gen: v7x
topology: tpu7x:2x2x1
jax: 0.10.2.dev20260603
libtpu: 0.0.44.dev20260713+nightly
codegen_flags: <defaults>
</compile_context>

<pallas_src>
import jax
import jax.numpy as jnp
from jax.experimental import pallas as pl
from jax.experimental.pallas import tpu as pltpu
from jax.experimental.pallas import tpu_sc as plsc

import functools


@functools.partial(jax.jit, static_argnames=("batch", "seq_len", "hidden"))
def _gather_last(seq3, lengths, *, batch, seq_len, hidden):
    half = hidden // 2
    mesh = plsc.ScalarSubcoreMesh(axis_name="c", num_cores=1)

    @functools.partial(
        pl.kernel,
        out_type=jax.ShapeDtypeStruct((batch, hidden), jnp.float32),
        mesh=mesh,
        scratch_types=[
            pltpu.SMEM((batch,), jnp.int32),
            pltpu.SemaphoreType.DMA,
        ],
    )
    def k(seq3_hbm, len_hbm, out_hbm, len_sm, sem):
        bw = pltpu.async_copy(
            seq3_hbm.at[:, 0, pl.ds(half, half)],
            out_hbm.at[:, pl.ds(half, half)],
            sem,
        )
        pltpu.sync_copy(len_hbm, len_sm)
        copies = []
        for b in range(batch):
            t = len_sm[b] - 1
            copies.append(
                pltpu.async_copy(
                    seq3_hbm.at[b, pl.ds(t, 1), pl.ds(0, half)],
                    out_hbm.at[pl.ds(b, 1), pl.ds(0, half)],
                    sem,
                )
            )
        bw.wait()
        for c in copies:
            c.wait()

    return k(seq3, lengths)


def kernel(sequences, lengths):
    batch, seq_len, hidden_x_dirs = sequences.shape
    return _gather_last(
        sequences,
        lengths.astype(jnp.int32),
        batch=batch,
        seq_len=seq_len,
        hidden=hidden_x_dirs,
    )

# --- scband reference (transcript-rebuilt; emitter-appended) ---
"""Pipeline reference for scband-gather-last-layer-16844861734966 (READ-ONLY COPY).

The authoritative reference and input builder live on the scoring server;
editing this copy changes nothing except your own understanding.
"""

import jax, jax.numpy as jnp
import numpy as np


def setup_inputs(seed: int = 0) -> dict:
    key = jax.random.key(seed)
    k1, k2 = jax.random.split(key)
    batch, seq_len, hidden_x_dirs = 16, 2048, 2048
    sequences = jax.random.normal(k1, (batch, seq_len, hidden_x_dirs), dtype=jnp.float32)
    # lengths must be >= 1 so that lengths - 1 is a valid gather index
    lengths = jax.random.randint(k2, (batch,), 1, seq_len, dtype=jnp.int32)
    return {"sequences": sequences, "lengths": lengths}


def reference(sequences, lengths):
    # Faithful translation of GatherLastLayer.forward with bidirectional=True
    batch_size, seq_len, hidden_x_dirs = sequences.shape
    assert hidden_x_dirs % 2 == 0
    single_dir_hidden = hidden_x_dirs // 2
    lengths = lengths.astype(jnp.int32)
    # lengths_fw: [B, 1, single_dir_hidden] filled with (length - 1)
    idx_fw = jnp.broadcast_to((lengths - 1)[:, None, None], (batch_size, 1, single_dir_hidden))
    # lengths_bw: zeros of same shape
    idx_bw = jnp.zeros_like(idx_fw)
    # chunk along last dim
    out_fw = sequences[:, :, :single_dir_hidden]
    out_bw = sequences[:, :, single_dir_hidden:]
    # torch.gather(out, 1, idx) == take_along_axis along axis=1
    h_t_fw = jnp.take_along_axis(out_fw, idx_fw, axis=1)
    h_t_bw = jnp.take_along_axis(out_bw, idx_bw, axis=1)
    last_hidden_out = jnp.concatenate([h_t_fw, h_t_bw], axis=2).squeeze(1)
    return last_hidden_out

if __name__ == "__main__":
    import jax
    _d = setup_inputs()
    print(jax.jit(kernel)(*tuple(_d.values())))

</pallas_src>

<mosaic_0001>
#map = affine_map<(d0) -> (0, 0, 0)>
#map1 = affine_map<(d0) -> (0)>
#map2 = affine_map<(d0) -> (0, 0)>
module attributes {stable_mosaic.version = 14 : i64} {
  func.func @k(%arg0: i32, %arg1: memref<16x2048x2048xf32, #tpu.memory_space<hbm>>, %arg2: memref<16xi32, #tpu.memory_space<hbm>>, %arg3: memref<16x2048xf32, #tpu.memory_space<hbm>>, %arg4: memref<16xi32, #tpu.memory_space<smem>>, %arg5: memref<!tpu.dma_semaphore, #tpu.memory_space<semaphore_mem>>) attributes {dimension_semantics = [#tpu.dimension_semantics<core_parallel>], iteration_bounds = array<i64: 1>, scalar_prefetch = 0 : i64, scratch_operands = 2 : i64, tpu.core_type = #tpu.core_type<sc_scalar_subcore>, window_params = [{transform_indices = #map}, {transform_indices = #map1}, {transform_indices = #map2}]} {
    %dma_start3A = arith.constant 0 : i32
    %dma_start3A_0 = arith.constant 0 : i32
    %dma_start3A_1 = arith.constant 1024 : i32
    %dma_start3A_2 = tpu.memref_slice %arg3[%dma_start3A_0, %dma_start3A_1] : memref<16x2048xf32, #tpu.memory_space<hbm>> -> memref<16x1024xf32, #tpu.memory_space<hbm>>
    %dma_start3A_3 = arith.constant 0 : i32
    %dma_start3A_4 = arith.constant 1024 : i32
    %dma_start3A_5 = tpu.memref_slice %arg1[%dma_start3A_3, %dma_start3A, %dma_start3A_4] : memref<16x2048x2048xf32, #tpu.memory_space<hbm>> -> memref<16x1x1024xf32, #tpu.memory_space<hbm>>
    %dma_start3A_6 = tpu.memref_squeeze %dma_start3A_5 : memref<16x1x1024xf32, #tpu.memory_space<hbm>> -> memref<16x1024xf32, #tpu.memory_space<hbm>>
    tpu.enqueue_dma source(%dma_start3A_6 : memref<16x1024xf32, #tpu.memory_space<hbm>>) target(%dma_start3A_2 : memref<16x1024xf32, #tpu.memory_space<hbm>>) target_semaphore(%arg5 : memref<!tpu.dma_semaphore, #tpu.memory_space<semaphore_mem>>)
    "tpu.region"() ({
      %run_scoped3A = tpu.sem_alloc : memref<!tpu.dma_semaphore, #tpu.memory_space<semaphore_mem>>
      tpu.enqueue_dma source(%arg2 : memref<16xi32, #tpu.memory_space<hbm>>) target(%arg4 : memref<16xi32, #tpu.memory_space<smem>>) target_semaphore(%run_scoped3A : memref<!tpu.dma_semaphore, #tpu.memory_space<semaphore_mem>>)
      tpu.wait_dma2 semaphore(%run_scoped3A : memref<!tpu.dma_semaphore, #tpu.memory_space<semaphore_mem>>) src(%arg2 : memref<16xi32, #tpu.memory_space<hbm>>) dst(%arg4 : memref<16xi32, #tpu.memory_space<smem>>)
      tpu.yield
    }) : () -> ()
    %get3A = arith.constant 0 : i32
    %get3A_7 = arith.index_cast %get3A : i32 to index
    %get3A_8 = memref.load %arg4[%get3A_7] : memref<16xi32, #tpu.memory_space<smem>>
    %sub3A = arith.constant 1 : i32
    %sub3A_9 = arith.subi %get3A_8, %sub3A : i32
    %dma_start3A_10 = arith.constant 0 : i32
    %dma_start3A_11 = arith.constant 0 : i32
    %dma_start3A_12 = arith.constant 0 : i32
    %dma_start3A_13 = tpu.memref_slice %arg3[%dma_start3A_11, %dma_start3A_12] : memref<16x2048xf32, #tpu.memory_space<hbm>> -> memref<1x1024xf32, #tpu.memory_space<hbm>>
    %dma_start3A_14 = arith.constant 0 : i32
    %dma_start3A_15 = tpu.memref_slice %arg1[%dma_start3A_10, %sub3A_9, %dma_start3A_14] : memref<16x2048x2048xf32, #tpu.memory_space<hbm>> -> memref<1x1x1024xf32, #tpu.memory_space<hbm>>
    %dma_start3A_16 = tpu.memref_squeeze %dma_start3A_15 : memref<1x1x1024xf32, #tpu.memory_space<hbm>> -> memref<1x1024xf32, #tpu.memory_space<hbm>>
    tpu.enqueue_dma source(%dma_start3A_16 : memref<1x1024xf32, #tpu.memory_space<hbm>>) target(%dma_start3A_13 : memref<1x1024xf32, #tpu.memory_space<hbm>>) target_semaphore(%arg5 : memref<!tpu.dma_semaphore, #tpu.memory_space<semaphore_mem>>)
    %get3A_17 = arith.constant 1 : i32
    %get3A_18 = arith.index_cast %get3A_17 : i32 to index
    %get3A_19 = memref.load %arg4[%get3A_18] : memref<16xi32, #tpu.memory_space<smem>>
    %sub3A_20 = arith.constant 1 : i32
    %sub3A_21 = arith.subi %get3A_19, %sub3A_20 : i32
    %dma_start3A_22 = arith.constant 1 : i32
    %dma_start3A_23 = arith.constant 1 : i32
    %dma_start3A_24 = arith.constant 0 : i32
    %dma_start3A_25 = tpu.memref_slice %arg3[%dma_start3A_23, %dma_start3A_24] : memref<16x2048xf32, #tpu.memory_space<hbm>> -> memref<1x1024xf32, #tpu.memory_space<hbm>>
    %dma_start3A_26 = arith.constant 0 : i32
    %dma_start3A_27 = tpu.memref_slice %arg1[%dma_start3A_22, %sub3A_21, %dma_start3A_26] : memref<16x2048x2048xf32, #tpu.memory_space<hbm>> -> memref<1x1x1024xf32, #tpu.memory_space<hbm>>
    %dma_start3A_28 = tpu.memref_squeeze %dma_start3A_27 : memref<1x1x1024xf32, #tpu.memory_space<hbm>> -> memref<1x1024xf32, #tpu.memory_space<hbm>>
    tpu.enqueue_dma source(%dma_start3A_28 : memref<1x1024xf32, #tpu.memory_space<hbm>>) target(%dma_start3A_25 : memref<1x1024xf32, #tpu.memory_space<hbm>>) target_semaphore(%arg5 : memref<!tpu.dma_semaphore, #tpu.memory_space<semaphore_mem>>)
    %get3A_29 = arith.constant 2 : i32
    %get3A_30 = arith.index_cast %get3A_29 : i32 to index
    %get3A_31 = memref.load %arg4[%get3A_30] : memref<16xi32, #tpu.memory_space<smem>>
    %sub3A_32 = arith.constant 1 : i32
    %sub3A_33 = arith.subi %get3A_31, %sub3A_32 : i32
    %dma_start3A_34 = arith.constant 2 : i32
    %dma_start3A_35 = arith.constant 2 : i32
    %dma_start3A_36 = arith.constant 0 : i32
    %dma_start3A_37 = tpu.memref_slice %arg3[%dma_start3A_35, %dma_start3A_36] : memref<16x2048xf32, #tpu.memory_space<hbm>> -> memref<1x1024xf32, #tpu.memory_space<hbm>>
    %dma_start3A_38 = arith.constant 0 : i32
    %dma_start3A_39 = tpu.memref_slice %arg1[%dma_start3A_34, %sub3A_33, %dma_start3A_38] : memref<16x2048x2048xf32, #tpu.memory_space<hbm>> -> memref<1x1x1024xf32, #tpu.memory_space<hbm>>
    %dma_start3A_40 = tpu.memref_squeeze %dma_start3A_39 : memref<1x1x1024xf32, #tpu.memory_space<hbm>> -> memref<1x1024xf32, #tpu.memory_space<hbm>>
    tpu.enqueue_dma source(%dma_start3A_40 : memref<1x1024xf32, #tpu.memory_space<hbm>>) target(%dma_start3A_37 : memref<1x1024xf32, #tpu.memory_space<hbm>>) target_semaphore(%arg5 : memref<!tpu.dma_semaphore, #tpu.memory_space<semaphore_mem>>)
    %get3A_41 = arith.constant 3 : i32
    %get3A_42 = arith.index_cast %get3A_41 : i32 to index
    %get3A_43 = memref.load %arg4[%get3A_42] : memref<16xi32, #tpu.memory_space<smem>>
    %sub3A_44 = arith.constant 1 : i32
    %sub3A_45 = arith.subi %get3A_43, %sub3A_44 : i32
    %dma_start3A_46 = arith.constant 3 : i32
    %dma_start3A_47 = arith.constant 3 : i32
    %dma_start3A_48 = arith.constant 0 : i32
    %dma_start3A_49 = tpu.memref_slice %arg3[%dma_start3A_47, %dma_start3A_48] : memref<16x2048xf32, #tpu.memory_space<hbm>> -> memref<1x1024xf32, #tpu.memory_space<hbm>>
    %dma_start3A_50 = arith.constant 0 : i32
    %dma_start3A_51 = tpu.memref_slice %arg1[%dma_start3A_46, %sub3A_45, %dma_start3A_50] : memref<16x2048x2048xf32, #tpu.memory_space<hbm>> -> memref<1x1x1024xf32, #tpu.memory_space<hbm>>
    %dma_start3A_52 = tpu.memref_squeeze %dma_start3A_51 : memref<1x1x1024xf32, #tpu.memory_space<hbm>> -> memref<1x1024xf32, #tpu.memory_space<hbm>>
    tpu.enqueue_dma source(%dma_start3A_52 : memref<1x1024xf32, #tpu.memory_space<hbm>>) target(%dma_start3A_49 : memref<1x1024xf32, #tpu.memory_space<hbm>>) target_semaphore(%arg5 : memref<!tpu.dma_semaphore, #tpu.memory_space<semaphore_mem>>)
    %get3A_53 = arith.constant 4 : i32
    %get3A_54 = arith.index_cast %get3A_53 : i32 to index
    %get3A_55 = memref.load %arg4[%get3A_54] : memref<16xi32, #tpu.memory_space<smem>>
    %sub3A_56 = arith.constant 1 : i32
    %sub3A_57 = arith.subi %get3A_55, %sub3A_56 : i32
    %dma_start3A_58 = arith.constant 4 : i32
    %dma_start3A_59 = arith.constant 4 : i32
    %dma_start3A_60 = arith.constant 0 : i32
    %dma_start3A_61 = tpu.memref_slice %arg3[%dma_start3A_59, %dma_start3A_60] : memref<16x2048xf32, #tpu.memory_space<hbm>> -> memref<1x1024xf32, #tpu.memory_space<hbm>>
    %dma_start3A_62 = arith.constant 0 : i32
    %dma_start3A_63 = tpu.memref_slice %arg1[%dma_start3A_58, %sub3A_57, %dma_start3A_62] : memref<16x2048x2048xf32, #tpu.memory_space<hbm>> -> memref<1x1x1024xf32, #tpu.memory_space<hbm>>
    %dma_start3A_64 = tpu.memref_squeeze %dma_start3A_63 : memref<1x1x1024xf32, #tpu.memory_space<hbm>> -> memref<1x1024xf32, #tpu.memory_space<hbm>>
    tpu.enqueue_dma source(%dma_start3A_64 : memref<1x1024xf32, #tpu.memory_space<hbm>>) target(%dma_start3A_61 : memref<1x1024xf32, #tpu.memory_space<hbm>>) target_semaphore(%arg5 : memref<!tpu.dma_semaphore, #tpu.memory_space<semaphore_mem>>)
    %get3A_65 = arith.constant 5 : i32
    %get3A_66 = arith.index_cast %get3A_65 : i32 to index
    %get3A_67 = memref.load %arg4[%get3A_66] : memref<16xi32, #tpu.memory_space<smem>>
    %sub3A_68 = arith.constant 1 : i32
    %sub3A_69 = arith.subi %get3A_67, %sub3A_68 : i32
    %dma_start3A_70 = arith.constant 5 : i32
    %dma_start3A_71 = arith.constant 5 : i32
    %dma_start3A_72 = arith.constant 0 : i32
    %dma_start3A_73 = tpu.memref_slice %arg3[%dma_start3A_71, %dma_start3A_72] : memref<16x2048xf32, #tpu.memory_space<hbm>> -> memref<1x1024xf32, #tpu.memory_space<hbm>>
    %dma_start3A_74 = arith.constant 0 : i32
    %dma_start3A_75 = tpu.memref_slice %arg1[%dma_start3A_70, %sub3A_69, %dma_start3A_74] : memref<16x2048x2048xf32, #tpu.memory_space<hbm>> -> memref<1x1x1024xf32, #tpu.memory_space<hbm>>
    %dma_start3A_76 = tpu.memref_squeeze %dma_start3A_75 : memref<1x1x1024xf32, #tpu.memory_space<hbm>> -> memref<1x1024xf32, #tpu.memory_space<hbm>>
    tpu.enqueue_dma source(%dma_start3A_76 : memref<1x1024xf32, #tpu.memory_space<hbm>>) target(%dma_start3A_73 : memref<1x1024xf32, #tpu.memory_space<hbm>>) target_semaphore(%arg5 : memref<!tpu.dma_semaphore, #tpu.memory_space<semaphore_mem>>)
    %get3A_77 = arith.constant 6 : i32
    %get3A_78 = arith.index_cast %get3A_77 : i32 to index
    %get3A_79 = memref.load %arg4[%get3A_78] : memref<16xi32, #tpu.memory_space<smem>>
    %sub3A_80 = arith.constant 1 : i32
    %sub3A_81 = arith.subi %get3A_79, %sub3A_80 : i32
    %dma_start3A_82 = arith.constant 6 : i32
    %dma_start3A_83 = arith.constant 6 : i32
    %dma_start3A_84 = arith.constant 0 : i32
    %dma_start3A_85 = tpu.memref_slice %arg3[%dma_start3A_83, %dma_start3A_84] : memref<16x2048xf32, #tpu.memory_space<hbm>> -> memref<1x1024xf32, #tpu.memory_space<hbm>>
    %dma_start3A_86 = arith.constant 0 : i32
    %dma_start3A_87 = tpu.memref_slice %arg1[%dma_start3A_82, %sub3A_81, %dma_start3A_86] : memref<16x2048x2048xf32, #tpu.memory_space<hbm>> -> memref<1x1x1024xf32, #tpu.memory_space<hbm>>
    %dma_start3A_88 = tpu.memref_squeeze %dma_start3A_87 : memref<1x1x1024xf32, #tpu.memory_space<hbm>> -> memref<1x1024xf32, #tpu.memory_space<hbm>>
    tpu.enqueue_dma source(%dma_start3A_88 : memref<1x1024xf32, #tpu.memory_space<hbm>>) target(%dma_start3A_85 : memref<1x1024xf32, #tpu.memory_space<hbm>>) target_semaphore(%arg5 : memref<!tpu.dma_semaphore, #tpu.memory_space<semaphore_mem>>)
    %get3A_89 = arith.constant 7 : i32
    %get3A_90 = arith.index_cast %get3A_89 : i32 to index
    %get3A_91 = memref.load %arg4[%get3A_90] : memref<16xi32, #tpu.memory_space<smem>>
    %sub3A_92 = arith.constant 1 : i32
    %sub3A_93 = arith.subi %get3A_91, %sub3A_92 : i32
    %dma_start3A_94 = arith.constant 7 : i32
    %dma_start3A_95 = arith.constant 7 : i32
    %dma_start3A_96 = arith.constant 0 : i32
    %dma_start3A_97 = tpu.memref_slice %arg3[%dma_start3A_95, %dma_start3A_96] : memref<16x2048xf32, #tpu.memory_space<hbm>> -> memref<1x1024xf32, #tpu.memory_space<hbm>>
    %dma_start3A_98 = arith.constant 0 : i32
    %dma_start3A_99 = tpu.memref_slice %arg1[%dma_start3A_94, %sub3A_93, %dma_start3A_98] : memref<16x2048x2048xf32, #tpu.memory_space<hbm>> -> memref<1x1x1024xf32, #tpu.memory_space<hbm>>
    %dma_start3A_100 = tpu.memref_squeeze %dma_start3A_99 : memref<1x1x1024xf32, #tpu.memory_space<hbm>> -> memref<1x1024xf32, #tpu.memory_space<hbm>>
    tpu.enqueue_dma source(%dma_start3A_100 : memref<1x1024xf32, #tpu.memory_space<hbm>>) target(%dma_start3A_97 : memref<1x1024xf32, #tpu.memory_space<hbm>>) target_semaphore(%arg5 : memref<!tpu.dma_semaphore, #tpu.memory_space<semaphore_mem>>)
    %get3A_101 = arith.constant 8 : i32
    %get3A_102 = arith.index_cast %get3A_101 : i32 to index
    %get3A_103 = memref.load %arg4[%get3A_102] : memref<16xi32, #tpu.memory_space<smem>>
    %sub3A_104 = arith.constant 1 : i32
    %sub3A_105 = arith.subi %get3A_103, %sub3A_104 : i32
    %dma_start3A_106 = arith.constant 8 : i32
    %dma_start3A_107 = arith.constant 8 : i32
    %dma_start3A_108 = arith.constant 0 : i32
    %dma_start3A_109 = tpu.memref_slice %arg3[%dma_start3A_107, %dma_start3A_108] : memref<16x2048xf32, #tpu.memory_space<hbm>> -> memref<1x1024xf32, #tpu.memory_space<hbm>>
    %dma_start3A_110 = arith.constant 0 : i32
    %dma_start3A_111 = tpu.memref_slice %arg1[%dma_start3A_106, %sub3A_105, %dma_start3A_110] : memref<16x2048x2048xf32, #tpu.memory_space<hbm>> -> memref<1x1x1024xf32, #tpu.memory_space<hbm>>
    %dma_start3A_112 = tpu.memref_squeeze %dma_start3A_111 : memref<1x1x1024xf32, #tpu.memory_space<hbm>> -> memref<1x1024xf32, #tpu.memory_space<hbm>>
    tpu.enqueue_dma source(%dma_start3A_112 : memref<1x1024xf32, #tpu.memory_space<hbm>>) target(%dma_start3A_109 : memref<1x1024xf32, #tpu.memory_space<hbm>>) target_semaphore(%arg5 : memref<!tpu.dma_semaphore, #tpu.memory_space<semaphore_mem>>)
    %get3A_113 = arith.constant 9 : i32
    %get3A_114 = arith.index_cast %get3A_113 : i32 to index
    %get3A_115 = memref.load %arg4[%get3A_114] : memref<16xi32, #tpu.memory_space<smem>>
    %sub3A_116 = arith.constant 1 : i32
    %sub3A_117 = arith.subi %get3A_115, %sub3A_116 : i32
    %dma_start3A_118 = arith.constant 9 : i32
    %dma_start3A_119 = arith.constant 9 : i32
    %dma_start3A_120 = arith.constant 0 : i32
    %dma_start3A_121 = tpu.memref_slice %arg3[%dma_start3A_119, %dma_start3A_120] : memref<16x2048xf32, #tpu.memory_space<hbm>> -> memref<1x1024xf32, #tpu.memory_space<hbm>>
    %dma_start3A_122 = arith.constant 0 : i32
    %dma_start3A_123 = tpu.memref_slice %arg1[%dma_start3A_118, %sub3A_117, %dma_start3A_122] : memref<16x2048x2048xf32, #tpu.memory_space<hbm>> -> memref<1x1x1024xf32, #tpu.memory_space<hbm>>
    %dma_start3A_124 = tpu.memref_squeeze %dma_start3A_123 : memref<1x1x1024xf32, #tpu.memory_space<hbm>> -> memref<1x1024xf32, #tpu.memory_space<hbm>>
    tpu.enqueue_dma source(%dma_start3A_124 : memref<1x1024xf32, #tpu.memory_space<hbm>>) target(%dma_start3A_121 : memref<1x1024xf32, #tpu.memory_space<hbm>>) target_semaphore(%arg5 : memref<!tpu.dma_semaphore, #tpu.memory_space<semaphore_mem>>)
    %get3A_125 = arith.constant 10 : i32
    %get3A_126 = arith.index_cast %get3A_125 : i32 to index
    %get3A_127 = memref.load %arg4[%get3A_126] : memref<16xi32, #tpu.memory_space<smem>>
    %sub3A_128 = arith.constant 1 : i32
    %sub3A_129 = arith.subi %get3A_127, %sub3A_128 : i32
    %dma_start3A_130 = arith.constant 10 : i32
    %dma_start3A_131 = arith.constant 10 : i32
    %dma_start3A_132 = arith.constant 0 : i32
    %dma_start3A_133 = tpu.memref_slice %arg3[%dma_start3A_131, %dma_start3A_132] : memref<16x2048xf32, #tpu.memory_space<hbm>> -> memref<1x1024xf32, #tpu.memory_space<hbm>>
    %dma_start3A_134 = arith.constant 0 : i32
    %dma_start3A_135 = tpu.memref_slice %arg1[%dma_start3A_130, %sub3A_129, %dma_start3A_134] : memref<16x2048x2048xf32, #tpu.memory_space<hbm>> -> memref<1x1x1024xf32, #tpu.memory_space<hbm>>
    %dma_start3A_136 = tpu.memref_squeeze %dma_start3A_135 : memref<1x1x1024xf32, #tpu.memory_space<hbm>> -> memref<1x1024xf32, #tpu.memory_space<hbm>>
    tpu.enqueue_dma source(%dma_start3A_136 : memref<1x1024xf32, #tpu.memory_space<hbm>>) target(%dma_start3A_133 : memref<1x1024xf32, #tpu.memory_space<hbm>>) target_semaphore(%arg5 : memref<!tpu.dma_semaphore, #tpu.memory_space<semaphore_mem>>)
    %get3A_137 = arith.constant 11 : i32
    %get3A_138 = arith.index_cast %get3A_137 : i32 to index
    %get3A_139 = memref.load %arg4[%get3A_138] : memref<16xi32, #tpu.memory_space<smem>>
    %sub3A_140 = arith.constant 1 : i32
    %sub3A_141 = arith.subi %get3A_139, %sub3A_140 : i32
    %dma_start3A_142 = arith.constant 11 : i32
    %dma_start3A_143 = arith.constant 11 : i32
    %dma_start3A_144 = arith.constant 0 : i32
    %dma_start3A_145 = tpu.memref_slice %arg3[%dma_start3A_143, %dma_start3A_144] : memref<16x2048xf32, #tpu.memory_space<hbm>> -> memref<1x1024xf32, #tpu.memory_space<hbm>>
    %dma_start3A_146 = arith.constant 0 : i32
    %dma_start3A_147 = tpu.memref_slice %arg1[%dma_start3A_142, %sub3A_141, %dma_start3A_146] : memref<16x2048x2048xf32, #tpu.memory_space<hbm>> -> memref<1x1x1024xf32, #tpu.memory_space<hbm>>
    %dma_start3A_148 = tpu.memref_squeeze %dma_start3A_147 : memref<1x1x1024xf32, #tpu.memory_space<hbm>> -> memref<1x1024xf32, #tpu.memory_space<hbm>>
    tpu.enqueue_dma source(%dma_start3A_148 : memref<1x1024xf32, #tpu.memory_space<hbm>>) target(%dma_start3A_145 : memref<1x1024xf32, #tpu.memory_space<hbm>>) target_semaphore(%arg5 : memref<!tpu.dma_semaphore, #tpu.memory_space<semaphore_mem>>)
    %get3A_149 = arith.constant 12 : i32
    %get3A_150 = arith.index_cast %get3A_149 : i32 to index
    %get3A_151 = memref.load %arg4[%get3A_150] : memref<16xi32, #tpu.memory_space<smem>>
    %sub3A_152 = arith.constant 1 : i32
    %sub3A_153 = arith.subi %get3A_151, %sub3A_152 : i32
    %dma_start3A_154 = arith.constant 12 : i32
    %dma_start3A_155 = arith.constant 12 : i32
    %dma_start3A_156 = arith.constant 0 : i32
    %dma_start3A_157 = tpu.memref_slice %arg3[%dma_start3A_155, %dma_start3A_156] : memref<16x2048xf32, #tpu.memory_space<hbm>> -> memref<1x1024xf32, #tpu.memory_space<hbm>>
    %dma_start3A_158 = arith.constant 0 : i32
    %dma_start3A_159 = tpu.memref_slice %arg1[%dma_start3A_154, %sub3A_153, %dma_start3A_158] : memref<16x2048x2048xf32, #tpu.memory_space<hbm>> -> memref<1x1x1024xf32, #tpu.memory_space<hbm>>
    %dma_start3A_160 = tpu.memref_squeeze %dma_start3A_159 : memref<1x1x1024xf32, #tpu.memory_space<hbm>> -> memref<1x1024xf32, #tpu.memory_space<hbm>>
    tpu.enqueue_dma source(%dma_start3A_160 : memref<1x1024xf32, #tpu.memory_space<hbm>>) target(%dma_start3A_157 : memref<1x1024xf32, #tpu.memory_space<hbm>>) target_semaphore(%arg5 : memref<!tpu.dma_semaphore, #tpu.memory_space<semaphore_mem>>)
    %get3A_161 = arith.constant 13 : i32
    %get3A_162 = arith.index_cast %get3A_161 : i32 to index
    %get3A_163 = memref.load %arg4[%get3A_162] : memref<16xi32, #tpu.memory_space<smem>>
    %sub3A_164 = arith.constant 1 : i32
    %sub3A_165 = arith.subi %get3A_163, %sub3A_164 : i32
    %dma_start3A_166 = arith.constant 13 : i32
    %dma_start3A_167 = arith.constant 13 : i32
    %dma_start3A_168 = arith.constant 0 : i32
    %dma_start3A_169 = tpu.memref_slice %arg3[%dma_start3A_167, %dma_start3A_168] : memref<16x2048xf32, #tpu.memory_space<hbm>> -> memref<1x1024xf32, #tpu.memory_space<hbm>>
    %dma_start3A_170 = arith.constant 0 : i32
    %dma_start3A_171 = tpu.memref_slice %arg1[%dma_start3A_166, %sub3A_165, %dma_start3A_170] : memref<16x2048x2048xf32, #tpu.memory_space<hbm>> -> memref<1x1x1024xf32, #tpu.memory_space<hbm>>
    %dma_start3A_172 = tpu.memref_squeeze %dma_start3A_171 : memref<1x1x1024xf32, #tpu.memory_space<hbm>> -> memref<1x1024xf32, #tpu.memory_space<hbm>>
    tpu.enqueue_dma source(%dma_start3A_172 : memref<1x1024xf32, #tpu.memory_space<hbm>>) target(%dma_start3A_169 : memref<1x1024xf32, #tpu.memory_space<hbm>>) target_semaphore(%arg5 : memref<!tpu.dma_semaphore, #tpu.memory_space<semaphore_mem>>)
    %get3A_173 = arith.constant 14 : i32
    %get3A_174 = arith.index_cast %get3A_173 : i32 to index
    %get3A_175 = memref.load %arg4[%get3A_174] : memref<16xi32, #tpu.memory_space<smem>>
    %sub3A_176 = arith.constant 1 : i32
    %sub3A_177 = arith.subi %get3A_175, %sub3A_176 : i32
    %dma_start3A_178 = arith.constant 14 : i32
    %dma_start3A_179 = arith.constant 14 : i32
    %dma_start3A_180 = arith.constant 0 : i32
    %dma_start3A_181 = tpu.memref_slice %arg3[%dma_start3A_179, %dma_start3A_180] : memref<16x2048xf32, #tpu.memory_space<hbm>> -> memref<1x1024xf32, #tpu.memory_space<hbm>>
    %dma_start3A_182 = arith.constant 0 : i32
    %dma_start3A_183 = tpu.memref_slice %arg1[%dma_start3A_178, %sub3A_177, %dma_start3A_182] : memref<16x2048x2048xf32, #tpu.memory_space<hbm>> -> memref<1x1x1024xf32, #tpu.memory_space<hbm>>
    %dma_start3A_184 = tpu.memref_squeeze %dma_start3A_183 : memref<1x1x1024xf32, #tpu.memory_space<hbm>> -> memref<1x1024xf32, #tpu.memory_space<hbm>>
    tpu.enqueue_dma source(%dma_start3A_184 : memref<1x1024xf32, #tpu.memory_space<hbm>>) target(%dma_start3A_181 : memref<1x1024xf32, #tpu.memory_space<hbm>>) target_semaphore(%arg5 : memref<!tpu.dma_semaphore, #tpu.memory_space<semaphore_mem>>)
    %get3A_185 = arith.constant 15 : i32
    %get3A_186 = arith.index_cast %get3A_185 : i32 to index
    %get3A_187 = memref.load %arg4[%get3A_186] : memref<16xi32, #tpu.memory_space<smem>>
    %sub3A_188 = arith.constant 1 : i32
    %sub3A_189 = arith.subi %get3A_187, %sub3A_188 : i32
    %dma_start3A_190 = arith.constant 15 : i32
    %dma_start3A_191 = arith.constant 15 : i32
    %dma_start3A_192 = arith.constant 0 : i32
    %dma_start3A_193 = tpu.memref_slice %arg3[%dma_start3A_191, %dma_start3A_192] : memref<16x2048xf32, #tpu.memory_space<hbm>> -> memref<1x1024xf32, #tpu.memory_space<hbm>>
    %dma_start3A_194 = arith.constant 0 : i32
    %dma_start3A_195 = tpu.memref_slice %arg1[%dma_start3A_190, %sub3A_189, %dma_start3A_194] : memref<16x2048x2048xf32, #tpu.memory_space<hbm>> -> memref<1x1x1024xf32, #tpu.memory_space<hbm>>
    %dma_start3A_196 = tpu.memref_squeeze %dma_start3A_195 : memref<1x1x1024xf32, #tpu.memory_space<hbm>> -> memref<1x1024xf32, #tpu.memory_space<hbm>>
    tpu.enqueue_dma source(%dma_start3A_196 : memref<1x1024xf32, #tpu.memory_space<hbm>>) target(%dma_start3A_193 : memref<1x1024xf32, #tpu.memory_space<hbm>>) target_semaphore(%arg5 : memref<!tpu.dma_semaphore, #tpu.memory_space<semaphore_mem>>)
    %dma_wait3A = arith.constant 0 : i32
    %dma_wait3A_197 = arith.constant 0 : i32
    %dma_wait3A_198 = arith.constant 1024 : i32
    %dma_wait3A_199 = tpu.memref_slice %arg3[%dma_wait3A_197, %dma_wait3A_198] : memref<16x2048xf32, #tpu.memory_space<hbm>> -> memref<16x1024xf32, #tpu.memory_space<hbm>>
    %dma_wait3A_200 = arith.constant 0 : i32
    %dma_wait3A_201 = arith.constant 1024 : i32
    %dma_wait3A_202 = tpu.memref_slice %arg1[%dma_wait3A_200, %dma_wait3A, %dma_wait3A_201] : memref<16x2048x2048xf32, #tpu.memory_space<hbm>> -> memref<16x1x1024xf32, #tpu.memory_space<hbm>>
    %dma_wait3A_203 = tpu.memref_squeeze %dma_wait3A_202 : memref<16x1x1024xf32, #tpu.memory_space<hbm>> -> memref<16x1024xf32, #tpu.memory_space<hbm>>
    tpu.wait_dma2 semaphore(%arg5 : memref<!tpu.dma_semaphore, #tpu.memory_space<semaphore_mem>>) src(%dma_wait3A_203 : memref<16x1024xf32, #tpu.memory_space<hbm>>) dst(%dma_wait3A_199 : memref<16x1024xf32, #tpu.memory_space<hbm>>)
    %dma_wait3A_204 = arith.constant 0 : i32
    %dma_wait3A_205 = arith.constant 0 : i32
    %dma_wait3A_206 = arith.constant 0 : i32
    %dma_wait3A_207 = tpu.memref_slice %arg3[%dma_wait3A_205, %dma_wait3A_206] : memref<16x2048xf32, #tpu.memory_space<hbm>> -> memref<1x1024xf32, #tpu.memory_space<hbm>>
    %dma_wait3A_208 = arith.constant 0 : i32
    %dma_wait3A_209 = tpu.memref_slice %arg1[%dma_wait3A_204, %sub3A_9, %dma_wait3A_208] : memref<16x2048x2048xf32, #tpu.memory_space<hbm>> -> memref<1x1x1024xf32, #tpu.memory_space<hbm>>
    %dma_wait3A_210 = tpu.memref_squeeze %dma_wait3A_209 : memref<1x1x1024xf32, #tpu.memory_space<hbm>> -> memref<1x1024xf32, #tpu.memory_space<hbm>>
    tpu.wait_dma2 semaphore(%arg5 : memref<!tpu.dma_semaphore, #tpu.memory_space<semaphore_mem>>) src(%dma_wait3A_210 : memref<1x1024xf32, #tpu.memory_space<hbm>>) dst(%dma_wait3A_207 : memref<1x1024xf32, #tpu.memory_space<hbm>>)
    %dma_wait3A_211 = arith.constant 1 : i32
    %dma_wait3A_212 = arith.constant 1 : i32
    %dma_wait3A_213 = arith.constant 0 : i32
    %dma_wait3A_214 = tpu.memref_slice %arg3[%dma_wait3A_212, %dma_wait3A_213] : memref<16x2048xf32, #tpu.memory_space<hbm>> -> memref<1x1024xf32, #tpu.memory_space<hbm>>
    %dma_wait3A_215 = arith.constant 0 : i32
    %dma_wait3A_216 = tpu.memref_slice %arg1[%dma_wait3A_211, %sub3A_21, %dma_wait3A_215] : memref<16x2048x2048xf32, #tpu.memory_space<hbm>> -> memref<1x1x1024xf32, #tpu.memory_space<hbm>>
    %dma_wait3A_217 = tpu.memref_squeeze %dma_wait3A_216 : memref<1x1x1024xf32, #tpu.memory_space<hbm>> -> memref<1x1024xf32, #tpu.memory_space<hbm>>
    tpu.wait_dma2 semaphore(%arg5 : memref<!tpu.dma_semaphore, #tpu.memory_space<semaphore_mem>>) src(%dma_wait3A_217 : memref<1x1024xf32, #tpu.memory_space<hbm>>) dst(%dma_wait3A_214 : memref<1x1024xf32, #tpu.memory_space<hbm>>)
    %dma_wait3A_218 = arith.constant 2 : i32
    %dma_wait3A_219 = arith.constant 2 : i32
    %dma_wait3A_220 = arith.constant 0 : i32
    %dma_wait3A_221 = tpu.memref_slice %arg3[%dma_wait3A_219, %dma_wait3A_220] : memref<16x2048xf32, #tpu.memory_space<hbm>> -> memref<1x1024xf32, #tpu.memory_space<hbm>>
    %dma_wait3A_222 = arith.constant 0 : i32
    %dma_wait3A_223 = tpu.memref_slice %arg1[%dma_wait3A_218, %sub3A_33, %dma_wait3A_222] : memref<16x2048x2048xf32, #tpu.memory_space<hbm>> -> memref<1x1x1024xf32, #tpu.memory_space<hbm>>
    %dma_wait3A_224 = tpu.memref_squeeze %dma_wait3A_223 : memref<1x1x1024xf32, #tpu.memory_space<hbm>> -> memref<1x1024xf32, #tpu.memory_space<hbm>>
    tpu.wait_dma2 semaphore(%arg5 : memref<!tpu.dma_semaphore, #tpu.memory_space<semaphore_mem>>) src(%dma_wait3A_224 : memref<1x1024xf32, #tpu.memory_space<hbm>>) dst(%dma_wait3A_221 : memref<1x1024xf32, #tpu.memory_space<hbm>>)
    %dma_wait3A_225 = arith.constant 3 : i32
    %dma_wait3A_226 = arith.constant 3 : i32
    %dma_wait3A_227 = arith.constant 0 : i32
    %dma_wait3A_228 = tpu.memref_slice %arg3[%dma_wait3A_226, %dma_wait3A_227] : memref<16x2048xf32, #tpu.memory_space<hbm>> -> memref<1x1024xf32, #tpu.memory_space<hbm>>
    %dma_wait3A_229 = arith.constant 0 : i32
    %dma_wait3A_230 = tpu.memref_slice %arg1[%dma_wait3A_225, %sub3A_45, %dma_wait3A_229] : memref<16x2048x2048xf32, #tpu.memory_space<hbm>> -> memref<1x1x1024xf32, #tpu.memory_space<hbm>>
    %dma_wait3A_231 = tpu.memref_squeeze %dma_wait3A_230 : memref<1x1x1024xf32, #tpu.memory_space<hbm>> -> memref<1x1024xf32, #tpu.memory_space<hbm>>
    tpu.wait_dma2 semaphore(%arg5 : memref<!tpu.dma_semaphore, #tpu.memory_space<semaphore_mem>>) src(%dma_wait3A_231 : memref<1x1024xf32, #tpu.memory_space<hbm>>) dst(%dma_wait3A_228 : memref<1x1024xf32, #tpu.memory_space<hbm>>)
    %dma_wait3A_232 = arith.constant 4 : i32
    %dma_wait3A_233 = arith.constant 4 : i32
    %dma_wait3A_234 = arith.constant 0 : i32
    %dma_wait3A_235 = tpu.memref_slice %arg3[%dma_wait3A_233, %dma_wait3A_234] : memref<16x2048xf32, #tpu.memory_space<hbm>> -> memref<1x1024xf32, #tpu.memory_space<hbm>>
    %dma_wait3A_236 = arith.constant 0 : i32
    %dma_wait3A_237 = tpu.memref_slice %arg1[%dma_wait3A_232, %sub3A_57, %dma_wait3A_236] : memref<16x2048x2048xf32, #tpu.memory_space<hbm>> -> memref<1x1x1024xf32, #tpu.memory_space<hbm>>
    %dma_wait3A_238 = tpu.memref_squeeze %dma_wait3A_237 : memref<1x1x1024xf32, #tpu.memory_space<hbm>> -> memref<1x1024xf32, #tpu.memory_space<hbm>>
    tpu.wait_dma2 semaphore(%arg5 : memref<!tpu.dma_semaphore, #tpu.memory_space<semaphore_mem>>) src(%dma_wait3A_238 : memref<1x1024xf32, #tpu.memory_space<hbm>>) dst(%dma_wait3A_235 : memref<1x1024xf32, #tpu.memory_space<hbm>>)
    %dma_wait3A_239 = arith.constant 5 : i32
    %dma_wait3A_240 = arith.constant 5 : i32
    %dma_wait3A_241 = arith.constant 0 : i32
    %dma_wait3A_242 = tpu.memref_slice %arg3[%dma_wait3A_240, %dma_wait3A_241] : memref<16x2048xf32, #tpu.memory_space<hbm>> -> memref<1x1024xf32, #tpu.memory_space<hbm>>
    %dma_wait3A_243 = arith.constant 0 : i32
    %dma_wait3A_244 = tpu.memref_slice %arg1[%dma_wait3A_239, %sub3A_69, %dma_wait3A_243] : memref<16x2048x2048xf32, #tpu.memory_space<hbm>> -> memref<1x1x1024xf32, #tpu.memory_space<hbm>>
    %dma_wait3A_245 = tpu.memref_squeeze %dma_wait3A_244 : memref<1x1x1024xf32, #tpu.memory_space<hbm>> -> memref<1x1024xf32, #tpu.memory_space<hbm>>
    tpu.wait_dma2 semaphore(%arg5 : memref<!tpu.dma_semaphore, #tpu.memory_space<semaphore_mem>>) src(%dma_wait3A_245 : memref<1x1024xf32, #tpu.memory_space<hbm>>) dst(%dma_wait3A_242 : memref<1x1024xf32, #tpu.memory_space<hbm>>)
    %dma_wait3A_246 = arith.constant 6 : i32
    %dma_wait3A_247 = arith.constant 6 : i32
    %dma_wait3A_248 = arith.constant 0 : i32
    %dma_wait3A_249 = tpu.memref_slice %arg3[%dma_wait3A_247, %dma_wait3A_248] : memref<16x2048xf32, #tpu.memory_space<hbm>> -> memref<1x1024xf32, #tpu.memory_space<hbm>>
    %dma_wait3A_250 = arith.constant 0 : i32
    %dma_wait3A_251 = tpu.memref_slice %arg1[%dma_wait3A_246, %sub3A_81, %dma_wait3A_250] : memref<16x2048x2048xf32, #tpu.memory_space<hbm>> -> memref<1x1x1024xf32, #tpu.memory_space<hbm>>
    %dma_wait3A_252 = tpu.memref_squeeze %dma_wait3A_251 : memref<1x1x1024xf32, #tpu.memory_space<hbm>> -> memref<1x1024xf32, #tpu.memory_space<hbm>>
    tpu.wait_dma2 semaphore(%arg5 : memref<!tpu.dma_semaphore, #tpu.memory_space<semaphore_mem>>) src(%dma_wait3A_252 : memref<1x1024xf32, #tpu.memory_space<hbm>>) dst(%dma_wait3A_249 : memref<1x1024xf32, #tpu.memory_space<hbm>>)
    %dma_wait3A_253 = arith.constant 7 : i32
    %dma_wait3A_254 = arith.constant 7 : i32
    %dma_wait3A_255 = arith.constant 0 : i32
    %dma_wait3A_256 = tpu.memref_slice %arg3[%dma_wait3A_254, %dma_wait3A_255] : memref<16x2048xf32, #tpu.memory_space<hbm>> -> memref<1x1024xf32, #tpu.memory_space<hbm>>
    %dma_wait3A_257 = arith.constant 0 : i32
    %dma_wait3A_258 = tpu.memref_slice %arg1[%dma_wait3A_253, %sub3A_93, %dma_wait3A_257] : memref<16x2048x2048xf32, #tpu.memory_space<hbm>> -> memref<1x1x1024xf32, #tpu.memory_space<hbm>>
    %dma_wait3A_259 = tpu.memref_squeeze %dma_wait3A_258 : memref<1x1x1024xf32, #tpu.memory_space<hbm>> -> memref<1x1024xf32, #tpu.memory_space<hbm>>
    tpu.wait_dma2 semaphore(%arg5 : memref<!tpu.dma_semaphore, #tpu.memory_space<semaphore_mem>>) src(%dma_wait3A_259 : memref<1x1024xf32, #tpu.memory_space<hbm>>) dst(%dma_wait3A_256 : memref<1x1024xf32, #tpu.memory_space<hbm>>)
    %dma_wait3A_260 = arith.constant 8 : i32
    %dma_wait3A_261 = arith.constant 8 : i32
    %dma_wait3A_262 = arith.constant 0 : i32
    %dma_wait3A_263 = tpu.memref_slice %arg3[%dma_wait3A_261, %dma_wait3A_262] : memref<16x2048xf32, #tpu.memory_space<hbm>> -> memref<1x1024xf32, #tpu.memory_space<hbm>>
    %dma_wait3A_264 = arith.constant 0 : i32
    %dma_wait3A_265 = tpu.memref_slice %arg1[%dma_wait3A_260, %sub3A_105, %dma_wait3A_264] : memref<16x2048x2048xf32, #tpu.memory_space<hbm>> -> memref<1x1x1024xf32, #tpu.memory_space<hbm>>
    %dma_wait3A_266 = tpu.memref_squeeze %dma_wait3A_265 : memref<1x1x1024xf32, #tpu.memory_space<hbm>> -> memref<1x1024xf32, #tpu.memory_space<hbm>>
    tpu.wait_dma2 semaphore(%arg5 : memref<!tpu.dma_semaphore, #tpu.memory_space<semaphore_mem>>) src(%dma_wait3A_266 : memref<1x1024xf32, #tpu.memory_space<hbm>>) dst(%dma_wait3A_263 : memref<1x1024xf32, #tpu.memory_space<hbm>>)
    %dma_wait3A_267 = arith.constant 9 : i32
    %dma_wait3A_268 = arith.constant 9 : i32
    %dma_wait3A_269 = arith.constant 0 : i32
    %dma_wait3A_270 = tpu.memref_slice %arg3[%dma_wait3A_268, %dma_wait3A_269] : memref<16x2048xf32, #tpu.memory_space<hbm>> -> memref<1x1024xf32, #tpu.memory_space<hbm>>
    %dma_wait3A_271 = arith.constant 0 : i32
    %dma_wait3A_272 = tpu.memref_slice %arg1[%dma_wait3A_267, %sub3A_117, %dma_wait3A_271] : memref<16x2048x2048xf32, #tpu.memory_space<hbm>> -> memref<1x1x1024xf32, #tpu.memory_space<hbm>>
    %dma_wait3A_273 = tpu.memref_squeeze %dma_wait3A_272 : memref<1x1x1024xf32, #tpu.memory_space<hbm>> -> memref<1x1024xf32, #tpu.memory_space<hbm>>
    tpu.wait_dma2 semaphore(%arg5 : memref<!tpu.dma_semaphore, #tpu.memory_space<semaphore_mem>>) src(%dma_wait3A_273 : memref<1x1024xf32, #tpu.memory_space<hbm>>) dst(%dma_wait3A_270 : memref<1x1024xf32, #tpu.memory_space<hbm>>)
    %dma_wait3A_274 = arith.constant 10 : i32
    %dma_wait3A_275 = arith.constant 10 : i32
    %dma_wait3A_276 = arith.constant 0 : i32
    %dma_wait3A_277 = tpu.memref_slice %arg3[%dma_wait3A_275, %dma_wait3A_276] : memref<16x2048xf32, #tpu.memory_space<hbm>> -> memref<1x1024xf32, #tpu.memory_space<hbm>>
    %dma_wait3A_278 = arith.constant 0 : i32
    %dma_wait3A_279 = tpu.memref_slice %arg1[%dma_wait3A_274, %sub3A_129, %dma_wait3A_278] : memref<16x2048x2048xf32, #tpu.memory_space<hbm>> -> memref<1x1x1024xf32, #tpu.memory_space<hbm>>
    %dma_wait3A_280 = tpu.memref_squeeze %dma_wait3A_279 : memref<1x1x1024xf32, #tpu.memory_space<hbm>> -> memref<1x1024xf32, #tpu.memory_space<hbm>>
    tpu.wait_dma2 semaphore(%arg5 : memref<!tpu.dma_semaphore, #tpu.memory_space<semaphore_mem>>) src(%dma_wait3A_280 : memref<1x1024xf32, #tpu.memory_space<hbm>>) dst(%dma_wait3A_277 : memref<1x1024xf32, #tpu.memory_space<hbm>>)
    %dma_wait3A_281 = arith.constant 11 : i32
    %dma_wait3A_282 = arith.constant 11 : i32
    %dma_wait3A_283 = arith.constant 0 : i32
    %dma_wait3A_284 = tpu.memref_slice %arg3[%dma_wait3A_282, %dma_wait3A_283] : memref<16x2048xf32, #tpu.memory_space<hbm>> -> memref<1x1024xf32, #tpu.memory_space<hbm>>
    %dma_wait3A_285 = arith.constant 0 : i32
    %dma_wait3A_286 = tpu.memref_slice %arg1[%dma_wait3A_281, %sub3A_141, %dma_wait3A_285] : memref<16x2048x2048xf32, #tpu.memory_space<hbm>> -> memref<1x1x1024xf32, #tpu.memory_space<hbm>>
    %dma_wait3A_287 = tpu.memref_squeeze %dma_wait3A_286 : memref<1x1x1024xf32, #tpu.memory_space<hbm>> -> memref<1x1024xf32, #tpu.memory_space<hbm>>
    tpu.wait_dma2 semaphore(%arg5 : memref<!tpu.dma_semaphore, #tpu.memory_space<semaphore_mem>>) src(%dma_wait3A_287 : memref<1x1024xf32, #tpu.memory_space<hbm>>) dst(%dma_wait3A_284 : memref<1x1024xf32, #tpu.memory_space<hbm>>)
    %dma_wait3A_288 = arith.constant 12 : i32
    %dma_wait3A_289 = arith.constant 12 : i32
    %dma_wait3A_290 = arith.constant 0 : i32
    %dma_wait3A_291 = tpu.memref_slice %arg3[%dma_wait3A_289, %dma_wait3A_290] : memref<16x2048xf32, #tpu.memory_space<hbm>> -> memref<1x1024xf32, #tpu.memory_space<hbm>>
    %dma_wait3A_292 = arith.constant 0 : i32
    %dma_wait3A_293 = tpu.memref_slice %arg1[%dma_wait3A_288, %sub3A_153, %dma_wait3A_292] : memref<16x2048x2048xf32, #tpu.memory_space<hbm>> -> memref<1x1x1024xf32, #tpu.memory_space<hbm>>
    %dma_wait3A_294 = tpu.memref_squeeze %dma_wait3A_293 : memref<1x1x1024xf32, #tpu.memory_space<hbm>> -> memref<1x1024xf32, #tpu.memory_space<hbm>>
    tpu.wait_dma2 semaphore(%arg5 : memref<!tpu.dma_semaphore, #tpu.memory_space<semaphore_mem>>) src(%dma_wait3A_294 : memref<1x1024xf32, #tpu.memory_space<hbm>>) dst(%dma_wait3A_291 : memref<1x1024xf32, #tpu.memory_space<hbm>>)
    %dma_wait3A_295 = arith.constant 13 : i32
    %dma_wait3A_296 = arith.constant 13 : i32
    %dma_wait3A_297 = arith.constant 0 : i32
    %dma_wait3A_298 = tpu.memref_slice %arg3[%dma_wait3A_296, %dma_wait3A_297] : memref<16x2048xf32, #tpu.memory_space<hbm>> -> memref<1x1024xf32, #tpu.memory_space<hbm>>
    %dma_wait3A_299 = arith.constant 0 : i32
    %dma_wait3A_300 = tpu.memref_slice %arg1[%dma_wait3A_295, %sub3A_165, %dma_wait3A_299] : memref<16x2048x2048xf32, #tpu.memory_space<hbm>> -> memref<1x1x1024xf32, #tpu.memory_space<hbm>>
    %dma_wait3A_301 = tpu.memref_squeeze %dma_wait3A_300 : memref<1x1x1024xf32, #tpu.memory_space<hbm>> -> memref<1x1024xf32, #tpu.memory_space<hbm>>
    tpu.wait_dma2 semaphore(%arg5 : memref<!tpu.dma_semaphore, #tpu.memory_space<semaphore_mem>>) src(%dma_wait3A_301 : memref<1x1024xf32, #tpu.memory_space<hbm>>) dst(%dma_wait3A_298 : memref<1x1024xf32, #tpu.memory_space<hbm>>)
    %dma_wait3A_302 = arith.constant 14 : i32
    %dma_wait3A_303 = arith.constant 14 : i32
    %dma_wait3A_304 = arith.constant 0 : i32
    %dma_wait3A_305 = tpu.memref_slice %arg3[%dma_wait3A_303, %dma_wait3A_304] : memref<16x2048xf32, #tpu.memory_space<hbm>> -> memref<1x1024xf32, #tpu.memory_space<hbm>>
    %dma_wait3A_306 = arith.constant 0 : i32
    %dma_wait3A_307 = tpu.memref_slice %arg1[%dma_wait3A_302, %sub3A_177, %dma_wait3A_306] : memref<16x2048x2048xf32, #tpu.memory_space<hbm>> -> memref<1x1x1024xf32, #tpu.memory_space<hbm>>
    %dma_wait3A_308 = tpu.memref_squeeze %dma_wait3A_307 : memref<1x1x1024xf32, #tpu.memory_space<hbm>> -> memref<1x1024xf32, #tpu.memory_space<hbm>>
    tpu.wait_dma2 semaphore(%arg5 : memref<!tpu.dma_semaphore, #tpu.memory_space<semaphore_mem>>) src(%dma_wait3A_308 : memref<1x1024xf32, #tpu.memory_space<hbm>>) dst(%dma_wait3A_305 : memref<1x1024xf32, #tpu.memory_space<hbm>>)
    %dma_wait3A_309 = arith.constant 15 : i32
    %dma_wait3A_310 = arith.constant 15 : i32
    %dma_wait3A_311 = arith.constant 0 : i32
    %dma_wait3A_312 = tpu.memref_slice %arg3[%dma_wait3A_310, %dma_wait3A_311] : memref<16x2048xf32, #tpu.memory_space<hbm>> -> memref<1x1024xf32, #tpu.memory_space<hbm>>
    %dma_wait3A_313 = arith.constant 0 : i32
    %dma_wait3A_314 = tpu.memref_slice %arg1[%dma_wait3A_309, %sub3A_189, %dma_wait3A_313] : memref<16x2048x2048xf32, #tpu.memory_space<hbm>> -> memref<1x1x1024xf32, #tpu.memory_space<hbm>>
    %dma_wait3A_315 = tpu.memref_squeeze %dma_wait3A_314 : memref<1x1x1024xf32, #tpu.memory_space<hbm>> -> memref<1x1024xf32, #tpu.memory_space<hbm>>
    tpu.wait_dma2 semaphore(%arg5 : memref<!tpu.dma_semaphore, #tpu.memory_space<semaphore_mem>>) src(%dma_wait3A_315 : memref<1x1024xf32, #tpu.memory_space<hbm>>) dst(%dma_wait3A_312 : memref<1x1024xf32, #tpu.memory_space<hbm>>)
    return
  }
}

</mosaic_0001>

<sc_bundles>
// kernel: _gather_last.3.cloned.1.call-start
scs
__scs_entry_jumppad:
0x0: {  	(pc) =	sbr.rel $0x88, $3  }
0x1: {  	(tag) =	ssettag $0x0;
	lr =	simm.s32 $0x1  }
0x2: {  	[smem:$0x3F9F] =	sst lr;
	_ =	strace $0xD0000000  }
0x3: {  	_ = 	snop  }
0x4: {  	_ = 	snop  }
0x5: {  	_ = 	snop  }
0x6: {  	_ = 	snop  }
0x7: {  	_ = 	snop  }
__scs_overlays_trampoline_lowered:
0x8: {  	[smem:$0x3FAE] =	sst s0  }
0x9: {  	[smem:$0x3FAF] =	sst s1  }
0xa: {  	[smem:$0x3FB0] =	sst s2  }
0xb: {  	[smem:$0x3FB1] =	sst s3  }
0xc: {  	[smem:$0x3FB2] =	sst s4  }
0xd: {  	[smem:$0x3FB3] =	sst s5  }
0xe: {  	[smem:$0x3FB4] =	sst s6  }
0xf: {  	[smem:$0x3FB5] =	sst s7  }
0x10: {  	[smem:$0x3FB6] =	sst s8  }
0x11: {  	[smem:$0x3FB7] =	sst s9;
	s0 =	simm.s32 @!p0 $0x0  }
0x12: {  	s1 =	sld [smem:$0x3F9D];
	s0 =	simm.s32 @p0 $0x1  }
0x13: {  	[smem:$0x3FB8] =	sst s0;
	s0 =	simm.s32 @!p1 $0x0  }
0x14: {  	s2 =	sld [smem:$0x3F9C];
	s0 =	simm.s32 @p1 $0x1  }
0x15: {  	[smem:$0x3FB9] =	sst s0;
	s0 =	simm.s32 @!p2 $0x0  }
0x16: {  	s3 =	sld [smem:$0x3FDB];
	s0 =	simm.s32 @p2 $0x1  }
0x17: {  	s4 =	simm.s32 $0x1BF5;
	[smem:$0x3FBB] =	sst s0  }
0x18: {  	s0 =	sld [smem:$0x3F9E];
	_ =	swait.ge [sflag:s4], $0x0  }
0x19: {  	s7 =	sld [smem:$0x3F9F]  }
0x1a: {  	s8 =	sadd.s32 $0xFFFFE003, lr  }
0x1b: {  	s9 =	sadd.s32 $0xFFFFFEF7, lr;
	s5 =	simm.s32 $0xFFFFFFFF;
	p2 =	slt.u32 s8, $0xFFFFF086  }
0x1c: {  	p1 =	slt.u32 s9, $0xF7A;
	s5 =	simm.s32 @!p2 $0x0  }
0x1d: {  	s5 =	simm.s32 @p1 $0x1;
	p0 =	seq.s32 s7, s2  }
0x1e: {  	s7 =	smul.u32 @!p0 $0xF7A, s2;
	p2 =	seq.s32 @!p0 s5, $0x0  }
0x1f: {  	s9 =	smul.u32 $0xF7A, s1;
	s8 =	simm.s32 @!p0 $0x1BF5;
	p2 =	por !p2, p0  }
0x20: {  	[sflag:s8] =	ssyncset.s32 @!p0 $0xFFFFF086;
	s6 =	sadd.s32 @!p0 s3, s7;
	s7 =	simm.s32 @!p0 $0x108  }
0x21: {  	s3 =	sadd.s32 s3, s9;
	s6 =	sadd.s32 @!p0 $0x88, s6;
	s7 =	simm.s32 @p2 $0x1082  }
0x22: {  	[simem:s7], [sflag:s8] =	dma.local @!p0 [hbm:s6], $0xF7A  }
0x23: {  	s9 =	sor.u32 $0xD0000000, s2;
	s6 =	simm.s32 $0x108;
	_ =	swait.ge @!p0 [sflag:s8], $0x0  }
0x24: {  	s3 =	sadd.s32 $0x88, s3;
	s6 =	simm.s32 @!p1 $0x1082;
	[sflag:s4] =	ssyncset.s32 $0xFFFFF086  }
0x25: {  	[simem:s6], [sflag:s4] =	dma.local [hbm:s3], $0xF7A  }
0x26: {  	[smem:$0x3F9F] =	sst s1;
	(tag) =	ssettag s2;
	_ =	strace s9  }
0x27: {  	s1 =	sld [smem:$0x3FAF]  }
0x28: {  	s2 =	sld [smem:$0x3FB0]  }
0x29: {  	s4 =	sld [smem:$0x3FB2]  }
0x2a: {  	p0 =	seq.s32 s5, $0x0;
	s5 =	sld [smem:$0x3FB3]  }
0x2b: {  	s6 =	sld [smem:$0x3FB4]  }
0x2c: {  	s7 =	sld [smem:$0x3FB5]  }
0x2d: {  	s3 =	simm.s32 $0x108;
	s8 =	sld [smem:$0x3FB6]  }
0x2e: {  	s3 =	simm.s32 @!p0 $0x1082;
	s9 =	sld [smem:$0x3FB7]  }
0x2f: {  	lr =	sadd.s32 s0, s3;
	s0 =	sld [smem:$0x3FAE]  }
0x30: {  	s3 =	sld [smem:$0x3FB1]  }
0x31: {  	[smem:$0x3FBA] =	sst s10  }
0x32: {  	s10 =	sld [smem:$0x3FB8];
	_ =	sdelay $0x3  }
0x33: {  	p0 =	seq.s32 s10, $0x1;
	s10 =	sld [smem:$0x3FBA];
	_ =	sdelay $0x3  }
0x34: {  	[smem:$0x3FBA] =	sst s10  }
0x35: {  	s10 =	sld [smem:$0x3FB9];
	_ =	sdelay $0x3  }
0x36: {  	p1 =	seq.s32 s10, $0x1;
	s10 =	sld [smem:$0x3FBA];
	_ =	sdelay $0x3  }
0x37: {  	[smem:$0x3FBA] =	sst s10  }
0x38: {  	s10 =	sld [smem:$0x3FBB]  }
0x39: {  	_ = 	snop;
	(pc) =	sbr.ind lr, $3  }
0x3a: {  	_ = 	snop  }
0x3b: {  	_ = 	snop  }
0x3c: {  	p2 =	seq.s32 s10, $0x1;
	s10 =	sld [smem:$0x3FBA]  }
0x3d: {  	_ =	shalt  }
0x3e: {  	_ =	shalt  }
0x3f: {  	_ =	shalt  }
0x40: {  	_ =	shalt  }
0x41: {  	_ =	shalt  }
0x42: {  	_ =	shalt  }
0x43: {  	_ =	shalt  }
0x44: {  	_ =	shalt  }
0x45: {  	_ =	shalt  }
0x46: {  	_ =	shalt  }
0x47: {  	_ =	shalt  }
0x48: {  	_ =	shalt  }
0x49: {  	_ =	shalt  }
0x4a: {  	_ =	shalt  }
0x4b: {  	_ =	shalt  }
0x4c: {  	_ =	shalt  }
0x4d: {  	_ =	shalt  }
0x4e: {  	_ =	shalt  }
0x4f: {  	_ =	shalt  }
0x50: {  	_ =	shalt  }
0x51: {  	_ =	shalt  }
0x52: {  	_ =	shalt  }
0x53: {  	_ =	shalt  }
0x54: {  	_ =	shalt  }
0x55: {  	_ =	shalt  }
0x56: {  	_ =	shalt  }
0x57: {  	_ =	shalt  }
0x58: {  	_ =	shalt  }
0x59: {  	_ =	shalt  }
0x5a: {  	_ =	shalt  }
0x5b: {  	_ =	shalt  }
0x5c: {  	_ =	shalt  }
0x5d: {  	_ =	shalt  }
0x5e: {  	_ =	shalt  }
0x5f: {  	_ =	shalt  }
0x60: {  	_ =	shalt  }
0x61: {  	_ =	shalt  }
0x62: {  	_ =	shalt  }
0x63: {  	_ =	shalt  }
0x64: {  	_ =	shalt  }
0x65: {  	_ =	shalt  }
0x66: {  	_ =	shalt  }
0x67: {  	_ =	shalt  }
0x68: {  	_ =	shalt  }
0x69: {  	_ =	shalt  }
0x6a: {  	_ =	shalt  }
0x6b: {  	_ =	shalt  }
0x6c: {  	_ =	shalt  }
0x6d: {  	_ =	shalt  }
0x6e: {  	_ =	shalt  }
0x6f: {  	_ =	shalt  }
0x70: {  	_ =	shalt  }
0x71: {  	_ =	shalt  }
0x72: {  	_ =	shalt  }
0x73: {  	_ =	shalt  }
0x74: {  	_ =	shalt  }
0x75: {  	_ =	shalt  }
0x76: {  	_ =	shalt  }
0x77: {  	_ =	shalt  }
0x78: {  	_ =	shalt  }
0x79: {  	_ =	shalt  }
0x7a: {  	_ =	shalt  }
0x7b: {  	_ =	shalt  }
0x7c: {  	_ =	shalt  }
0x7d: {  	_ =	shalt  }
0x7e: {  	_ =	shalt  }
0x7f: {  	_ =	shalt  }
0x80: {  	_ =	shalt  }
0x81: {  	_ =	shalt  }
0x82: {  	_ =	shalt  }
0x83: {  	_ =	shalt  }
0x84: {  	_ =	shalt  }
0x85: {  	_ =	shalt  }
0x86: {  	_ =	shalt  }
0x87: {  	_ =	shalt  }
.Lfunc_end0:
.L_simem_size_0:
called_computation_lowered:
.L_overlay_start_0:
0x88: {  	s0 =	sld [smem:$0x3FD9]  }
0x89: {  	s1 =	sld [smem:$0x3FFE];
	_ =	sdelay $0x3  }
0x8a: {  	s0 =	sadd.s32 s1, s0  }
0x8b: {  	s4 =	simm.s32 $0x0;
	[smem:$0x3FC6] =	sst s0  }
0x8c: {  	[smem:$0xF] =	sst s4  }
0x8d: {  	s1 =	sld [smem:$0x3FC9]  }
0x8e: {  	s3 =	sld [smem:$0x3FC8]  }
0x8f: {  	s2 =	sld [smem:$0x3FD0];
	(tm) =	ssettm $0x1  }
0x90: {  	s13 =	sld [smem:$0x3FFB];
	_ =	sdelay $0x3  }
0x91: {  	_ =	strace s13  }
0x92: {  	s0 =	sld [smem:$0x3FFC];
	_ =	sdelay $0x3  }
0x93: {  	_ =	strace s0  }
0x94: {  	s0 =	sld [smem:$0x3FFD];
	_ =	sdelay $0x3  }
0x95: {  	_ =	strace s0  }
0x96: {  	s14 =	simm.s32 $0x1B8B;
	_ =	strace $0x8FFFFFFF  }
0x97: {  	_ =	swait.ge [sflag:s14], $0x1  }
0x98: {  	[sflag:s14] =	ssyncset.done $0x0  }
0x99: {  	s15 =	simm.s32 $0x1B8E;
	[sflag:s14] =	ssyncadd.s32 $0xFFFFFFFF  }
0x9a: {  	[smem:$0x3FD2] =	sst s15  }
0x9b: {  	_ =	strace $0x80000046;
	[dreg:$0x0] =	wrdreg $0x400000  }
0x9c: {  	s16 =	sld [smem:$0x0]  }
0x9d: {  	[dreg:$0x1] =	wrdreg $0x800  }
0x9e: {  	[dreg:$0x2] =	wrdreg $0x8  }
0x9f: {  	[dreg:$0x3] =	wrdreg $0x80  }
0xa0: {  	[dreg:$0x4] =	wrdreg $0x80  }
0xa1: {  	[dreg:$0x5] =	wrdreg $0x8  }
0xa2: {  	s17 =	simm.s32 $0xA;
	s18 =	simm.s32 $0x10;
	[dreg:$0x6] =	wrdreg $0x80000  }
0xa3: {  	s5 =	sadd.s32 $0x400, s1;
	s6 =	sadd.s32 $0x400, s2;
	[dreg:$0x7] =	wrdreg $0x10  }
0xa4: {  	s0 =	simm.s32 $0x9;
	s7 =	sor.u32 $0x4044000, s16;
	[dreg:$0x8] =	wrdreg $0x1  }
0xa5: {  	[hbm:s6], [sflag:s0] =	dma.general [hbm:s5], [sflag:s4], length:$0x800, [dreg:$0x0], stride_count:$0x3, ici_dest:s7, dma_misc:DstOpCode:WRITE  }
0xa6: {  	[smem:s18], [sflag:s17] =	dma.local [hbm:s3], $0x10  }
0xa7: {  	_ =	swait.ge [sflag:s17], $0x10  }
0xa8: {  	[sflag:s17] =	ssyncset.done $0x0  }
0xa9: {  	[sflag:s17] =	ssyncadd.s32 $0xFFFFFFF0  }
0xaa: {  	s19 =	sld [smem:$0x10];
	_ =	sdelay $0x3  }
0xab: {  	s3 =	sadd.s32 $0xFFFFFFFF, s19  }
0xac: {  	s20 =	sshll.u32 s3, $0xB;
	s3 =	sshll.u32 s3, $0x7  }
0xad: {  	s4 =	sand.u32 $0xFFFFC000, s20;
	s3 =	sand.u32 $0x380, s3  }
0xae: {  	s3 =	sor.u32 s3, s4  }
0xaf: {  	s3 =	sshrl.u32 s3, $0x3  }
0xb0: {  	s4 =	simm.s32 $0x80;
	s21 =	sadd.s32 s1, s3;
	s3 =	simm.s32 $0x1  }
0xb1: {  	[hbm:s2@s4], [sflag:s0] =	dma.strided [hbm:s21@s4], $0x80, s3, $0x10   }
0xb2: {  	s5 =	sld [smem:$0x11];
	_ =	sdelay $0x3  }
0xb3: {  	s5 =	sadd.s32 $0xFFFFFFFF, s5  }
0xb4: {  	s22 =	sshll.u32 s5, $0xB;
	s5 =	sshll.u32 s5, $0x7  }
0xb5: {  	s6 =	sand.u32 $0xFFFFC000, s22;
	s5 =	sand.u32 $0x380, s5  }
0xb6: {  	s5 =	sor.u32 s5, s6  }
0xb7: {  	s5 =	sadd.s32 $0x400000, s5  }
0xb8: {  	s5 =	sshrl.u32 s5, $0x3  }
0xb9: {  	s23 =	sadd.s32 $0x10, s2;
	s5 =	sadd.s32 s1, s5  }
0xba: {  	[hbm:s23@s4], [sflag:s0] =	dma.strided [hbm:s5@s4], $0x80, s3, $0x10   }
0xbb: {  	s5 =	sld [smem:$0x12];
	_ =	sdelay $0x3  }
0xbc: {  	s5 =	sadd.s32 $0xFFFFFFFF, s5  }
0xbd: {  	s24 =	sshll.u32 s5, $0xB;
	s5 =	sshll.u32 s5, $0x7  }
0xbe: {  	s6 =	sand.u32 $0xFFFFC000, s24;
	s5 =	sand.u32 $0x380, s5  }
0xbf: {  	s5 =	sor.u32 s5, s6  }
0xc0: {  	s5 =	sadd.s32 $0x800000, s5  }
0xc1: {  	s5 =	sshrl.u32 s5, $0x3  }
0xc2: {  	s25 =	sadd.s32 $0x20, s2;
	s5 =	sadd.s32 s1, s5  }
0xc3: {  	[hbm:s25@s4], [sflag:s0] =	dma.strided [hbm:s5@s4], $0x80, s3, $0x10   }
0xc4: {  	s5 =	sld [smem:$0x13];
	_ =	sdelay $0x3  }
0xc5: {  	s5 =	sadd.s32 $0xFFFFFFFF, s5  }
0xc6: {  	s26 =	sshll.u32 s5, $0xB;
	s5 =	sshll.u32 s5, $0x7  }
0xc7: {  	s6 =	sand.u32 $0xFFFFC000, s26;
	s5 =	sand.u32 $0x380, s5  }
0xc8: {  	s5 =	sor.u32 s5, s6  }
0xc9: {  	s5 =	sadd.s32 $0xC00000, s5  }
0xca: {  	s5 =	sshrl.u32 s5, $0x3  }
0xcb: {  	s28 =	sadd.s32 $0x30, s2;
	s5 =	sadd.s32 s1, s5  }
0xcc: {  	[hbm:s28@s4], [sflag:s0] =	dma.strided [hbm:s5@s4], $0x80, s3, $0x10   }
0xcd: {  	s5 =	sld [smem:$0x14];
	_ =	sdelay $0x3  }
0xce: {  	s5 =	sadd.s32 $0xFFFFFFFF, s5  }
0xcf: {  	s29 =	sshll.u32 s5, $0xB;
	s5 =	sshll.u32 s5, $0x7  }
0xd0: {  	s6 =	sand.u32 $0xFFFFC000, s29;
	s5 =	sand.u32 $0x380, s5  }
0xd1: {  	s5 =	sor.u32 s5, s6  }
0xd2: {  	s5 =	sadd.s32 $0x1000000, s5  }
0xd3: {  	s5 =	sshrl.u32 s5, $0x3  }
0xd4: {  	s30 =	sadd.s32 $0x40, s2;
	s5 =	sadd.s32 s1, s5  }
0xd5: {  	[hbm:s30@s4], [sflag:s0] =	dma.strided [hbm:s5@s4], $0x80, s3, $0x10   }
0xd6: {  	s5 =	sld [smem:$0x15];
	_ =	sdelay $0x3  }
0xd7: {  	s5 =	sadd.s32 $0xFFFFFFFF, s5  }
0xd8: {  	s31 =	sshll.u32 s5, $0xB;
	s5 =	sshll.u32 s5, $0x7  }
0xd9: {  	s6 =	sand.u32 $0xFFFFC000, s31;
	s5 =	sand.u32 $0x380, s5  }
0xda: {  	s5 =	sor.u32 s5, s6  }
0xdb: {  	s5 =	sadd.s32 $0x1400000, s5  }
0xdc: {  	s5 =	sshrl.u32 s5, $0x3  }
0xdd: {  	s7 =	sadd.s32 $0x50, s2;
	s5 =	sadd.s32 s1, s5  }
0xde: {  	[hbm:s7@s4], [sflag:s0] =	dma.strided [hbm:s5@s4], $0x80, s3, $0x10   }
0xdf: {  	s5 =	sld [smem:$0x16];
	_ =	sdelay $0x3  }
0xe0: {  	s5 =	sadd.s32 $0xFFFFFFFF, s5  }
0xe1: {  	s8 =	sshll.u32 s5, $0xB;
	s5 =	sshll.u32 s5, $0x7  }
0xe2: {  	s6 =	sand.u32 $0xFFFFC000, s8;
	s5 =	sand.u32 $0x380, s5  }
0xe3: {  	s5 =	sor.u32 s5, s6  }
0xe4: {  	s5 =	sadd.s32 $0x1800000, s5  }
0xe5: {  	s5 =	sshrl.u32 s5, $0x3  }
0xe6: {  	s9 =	sadd.s32 $0x60, s2;
	s5 =	sadd.s32 s1, s5  }
0xe7: {  	[hbm:s9@s4], [sflag:s0] =	dma.strided [hbm:s5@s4], $0x80, s3, $0x10   }
0xe8: {  	s5 =	sld [smem:$0x17];
	_ =	sdelay $0x3  }
0xe9: {  	s5 =	sadd.s32 $0xFFFFFFFF, s5  }
0xea: {  	s10 =	sshll.u32 s5, $0xB;
	s5 =	sshll.u32 s5, $0x7  }
0xeb: {  	s6 =	sand.u32 $0xFFFFC000, s10;
	s5 =	sand.u32 $0x380, s5  }
0xec: {  	s5 =	sor.u32 s5, s6  }
0xed: {  	s5 =	sadd.s32 $0x1C00000, s5  }
0xee: {  	s5 =	sshrl.u32 s5, $0x3  }
0xef: {  	s11 =	sadd.s32 $0x70, s2;
	s5 =	sadd.s32 s1, s5  }
0xf0: {  	[hbm:s11@s4], [sflag:s0] =	dma.strided [hbm:s5@s4], $0x80, s3, $0x10   }
0xf1: {  	s5 =	sld [smem:$0x18];
	_ =	sdelay $0x3  }
0xf2: {  	s5 =	sadd.s32 $0xFFFFFFFF, s5  }
0xf3: {  	s12 =	sshll.u32 s5, $0xB;
	s5 =	sshll.u32 s5, $0x7  }
0xf4: {  	s6 =	sand.u32 $0xFFFFC000, s12;
	s5 =	sand.u32 $0x380, s5  }
0xf5: {  	s5 =	sor.u32 s5, s6  }
0xf6: {  	s5 =	sadd.s32 $0x2000000, s5  }
0xf7: {  	s5 =	sshrl.u32 s5, $0x3  }
0xf8: {  	s13 =	sadd.s32 $0x800, s2;
	s5 =	sadd.s32 s1, s5  }
0xf9: {  	[hbm:s13@s4], [sflag:s0] =	dma.strided [hbm:s5@s4], $0x80, s3, $0x10   }
0xfa: {  	s5 =	sld [smem:$0x19];
	_ =	sdelay $0x3  }
0xfb: {  	s5 =	sadd.s32 $0xFFFFFFFF, s5  }
0xfc: {  	s14 =	sshll.u32 s5, $0xB;
	s5 =	sshll.u32 s5, $0x7  }
0xfd: {  	s6 =	sand.u32 $0xFFFFC000, s14;
	s5 =	sand.u32 $0x380, s5  }
0xfe: {  	s5 =	sor.u32 s5, s6  }
0xff: {  	s5 =	sadd.s32 $0x2400000, s5  }
0x100: {  	s5 =	sshrl.u32 s5, $0x3  }
0x101: {  	s15 =	sadd.s32 $0x810, s2;
	s5 =	sadd.s32 s1, s5  }
0x102: {  	[hbm:s15@s4], [sflag:s0] =	dma.strided [hbm:s5@s4], $0x80, s3, $0x10   }
0x103: {  	s5 =	sld [smem:$0x1A];
	_ =	sdelay $0x3  }
0x104: {  	s5 =	sadd.s32 $0xFFFFFFFF, s5  }
0x105: {  	s16 =	sshll.u32 s5, $0xB;
	s5 =	sshll.u32 s5, $0x7  }
0x106: {  	s6 =	sand.u32 $0xFFFFC000, s16;
	s5 =	sand.u32 $0x380, s5  }
0x107: {  	s5 =	sor.u32 s5, s6  }
0x108: {  	s5 =	sadd.s32 $0x2800000, s5  }
0x109: {  	s5 =	sshrl.u32 s5, $0x3  }
0x10a: {  	s17 =	sadd.s32 $0x820, s2;
	s5 =	sadd.s32 s1, s5  }
0x10b: {  	[hbm:s17@s4], [sflag:s0] =	dma.strided [hbm:s5@s4], $0x80, s3, $0x10   }
0x10c: {  	s5 =	sld [smem:$0x1B];
	_ =	sdelay $0x3  }
0x10d: {  	s5 =	sadd.s32 $0xFFFFFFFF, s5  }
0x10e: {  	s18 =	sshll.u32 s5, $0xB;
	s5 =	sshll.u32 s5, $0x7  }
0x10f: {  	s6 =	sand.u32 $0xFFFFC000, s18;
	s5 =	sand.u32 $0x380, s5  }
0x110: {  	s5 =	sor.u32 s5, s6  }
0x111: {  	s5 =	sadd.s32 $0x2C00000, s5  }
0x112: {  	s5 =	sshrl.u32 s5, $0x3  }
0x113: {  	s19 =	sadd.s32 $0x830, s2;
	s5 =	sadd.s32 s1, s5  }
0x114: {  	[hbm:s19@s4], [sflag:s0] =	dma.strided [hbm:s5@s4], $0x80, s3, $0x10   }
0x115: {  	s5 =	sld [smem:$0x1C];
	_ =	sdelay $0x3  }
0x116: {  	s5 =	sadd.s32 $0xFFFFFFFF, s5  }
0x117: {  	s20 =	sshll.u32 s5, $0xB;
	s5 =	sshll.u32 s5, $0x7  }
0x118: {  	s6 =	sand.u32 $0xFFFFC000, s20;
	s5 =	sand.u32 $0x380, s5  }
0x119: {  	s5 =	sor.u32 s5, s6  }
0x11a: {  	s5 =	sadd.s32 $0x3000000, s5  }
0x11b: {  	s5 =	sshrl.u32 s5, $0x3  }
0x11c: {  	s21 =	sadd.s32 $0x840, s2;
	s5 =	sadd.s32 s1, s5  }
0x11d: {  	[hbm:s21@s4], [sflag:s0] =	dma.strided [hbm:s5@s4], $0x80, s3, $0x10   }
0x11e: {  	s5 =	sld [smem:$0x1D];
	_ =	sdelay $0x3  }
0x11f: {  	s5 =	sadd.s32 $0xFFFFFFFF, s5  }
0x120: {  	s22 =	sshll.u32 s5, $0xB;
	s5 =	sshll.u32 s5, $0x7  }
0x121: {  	s6 =	sand.u32 $0xFFFFC000, s22;
	s5 =	sand.u32 $0x380, s5  }
0x122: {  	s5 =	sor.u32 s5, s6  }
0x123: {  	s5 =	sadd.s32 $0x3400000, s5  }
0x124: {  	s5 =	sshrl.u32 s5, $0x3  }
0x125: {  	s23 =	sadd.s32 $0x850, s2;
	s5 =	sadd.s32 s1, s5  }
0x126: {  	[hbm:s23@s4], [sflag:s0] =	dma.strided [hbm:s5@s4], $0x80, s3, $0x10   }
0x127: {  	s5 =	sld [smem:$0x1E];
	_ =	sdelay $0x3  }
0x128: {  	s5 =	sadd.s32 $0xFFFFFFFF, s5  }
0x129: {  	s24 =	sshll.u32 s5, $0xB;
	s5 =	sshll.u32 s5, $0x7  }
0x12a: {  	s6 =	sand.u32 $0xFFFFC000, s24;
	s5 =	sand.u32 $0x380, s5  }
0x12b: {  	s5 =	sor.u32 s5, s6  }
0x12c: {  	s5 =	sadd.s32 $0x3800000, s5  }
0x12d: {  	s5 =	sshrl.u32 s5, $0x3  }
0x12e: {  	s25 =	sadd.s32 $0x860, s2;
	s5 =	sadd.s32 s1, s5  }
0x12f: {  	[hbm:s25@s4], [sflag:s0] =	dma.strided [hbm:s5@s4], $0x80, s3, $0x10   }
0x130: {  	s5 =	sld [smem:$0x1F];
	_ =	sdelay $0x3  }
0x131: {  	s5 =	sadd.s32 $0xFFFFFFFF, s5  }
0x132: {  	s26 =	sshll.u32 s5, $0xB;
	s5 =	sshll.u32 s5, $0x7  }
0x133: {  	s6 =	sand.u32 $0xFFFFC000, s26;
	s5 =	sand.u32 $0x380, s5  }
0x134: {  	s5 =	sor.u32 s5, s6  }
0x135: {  	s5 =	sadd.s32 $0x3C00000, s5  }
0x136: {  	s5 =	sshrl.u32 s5, $0x3  }
0x137: {  	s2 =	sadd.s32 $0x870, s2;
	s1 =	sadd.s32 s1, s5  }
0x138: {  	[hbm:s2@s4], [sflag:s0] =	dma.strided [hbm:s1@s4], $0x80, s3, $0x10   }
0x139: {  	_ =	swait.ge [sflag:s0], $0x800  }
0x13a: {  	[sflag:s0] =	ssyncset.done $0x0  }
0x13b: {  	[sflag:s0] =	ssyncadd.s32 $0xFFFFF800;
	_ =	sdelay $0x2  }
0x13c: {  	_ =	swait.ge [sflag:s0], $0x80  }
0x13d: {  	[sflag:s0] =	ssyncset.done $0x0  }
0x13e: {  	[sflag:s0] =	ssyncadd.s32 $0xFFFFFF80;
	_ =	sdelay $0x2  }
0x13f: {  	_ =	swait.ge [sflag:s0], $0x80  }
0x140: {  	[sflag:s0] =	ssyncset.done $0x0  }
0x141: {  	[sflag:s0] =	ssyncadd.s32 $0xFFFFFF80;
	_ =	sdelay $0x2  }
0x142: {  	_ =	swait.ge [sflag:s0], $0x80  }
0x143: {  	[sflag:s0] =	ssyncset.done $0x0  }
0x144: {  	[sflag:s0] =	ssyncadd.s32 $0xFFFFFF80;
	_ =	sdelay $0x2  }
0x145: {  	_ =	swait.ge [sflag:s0], $0x80  }
0x146: {  	[sflag:s0] =	ssyncset.done $0x0  }
0x147: {  	[sflag:s0] =	ssyncadd.s32 $0xFFFFFF80;
	_ =	sdelay $0x2  }
0x148: {  	_ =	swait.ge [sflag:s0], $0x80  }
0x149: {  	[sflag:s0] =	ssyncset.done $0x0  }
0x14a: {  	[sflag:s0] =	ssyncadd.s32 $0xFFFFFF80;
	_ =	sdelay $0x2  }
0x14b: {  	_ =	swait.ge [sflag:s0], $0x80  }
0x14c: {  	[sflag:s0] =	ssyncset.done $0x0  }
0x14d: {  	[sflag:s0] =	ssyncadd.s32 $0xFFFFFF80;
	_ =	sdelay $0x2  }
0x14e: {  	_ =	swait.ge [sflag:s0], $0x80  }
0x14f: {  	[sflag:s0] =	ssyncset.done $0x0  }
0x150: {  	[sflag:s0] =	ssyncadd.s32 $0xFFFFFF80;
	_ =	sdelay $0x2  }
0x151: {  	_ =	swait.ge [sflag:s0], $0x80  }
0x152: {  	[sflag:s0] =	ssyncset.done $0x0  }
0x153: {  	[sflag:s0] =	ssyncadd.s32 $0xFFFFFF80;
	_ =	sdelay $0x2  }
0x154: {  	_ =	swait.ge [sflag:s0], $0x80  }
0x155: {  	[sflag:s0] =	ssyncset.done $0x0  }
0x156: {  	[sflag:s0] =	ssyncadd.s32 $0xFFFFFF80;
	_ =	sdelay $0x2  }
0x157: {  	_ =	swait.ge [sflag:s0], $0x80  }
0x158: {  	[sflag:s0] =	ssyncset.done $0x0  }
0x159: {  	[sflag:s0] =	ssyncadd.s32 $0xFFFFFF80;
	_ =	sdelay $0x2  }
0x15a: {  	_ =	swait.ge [sflag:s0], $0x80  }
0x15b: {  	[sflag:s0] =	ssyncset.done $0x0  }
0x15c: {  	[sflag:s0] =	ssyncadd.s32 $0xFFFFFF80;
	_ =	sdelay $0x2  }
0x15d: {  	_ =	swait.ge [sflag:s0], $0x80  }
0x15e: {  	[sflag:s0] =	ssyncset.done $0x0  }
0x15f: {  	[sflag:s0] =	ssyncadd.s32 $0xFFFFFF80;
	_ =	sdelay $0x2  }
0x160: {  	_ =	swait.ge [sflag:s0], $0x80  }
0x161: {  	[sflag:s0] =	ssyncset.done $0x0  }
0x162: {  	[sflag:s0] =	ssyncadd.s32 $0xFFFFFF80;
	_ =	sdelay $0x2  }
0x163: {  	_ =	swait.ge [sflag:s0], $0x80  }
0x164: {  	[sflag:s0] =	ssyncset.done $0x0  }
0x165: {  	[sflag:s0] =	ssyncadd.s32 $0xFFFFFF80;
	_ =	sdelay $0x2  }
0x166: {  	_ =	swait.ge [sflag:s0], $0x80  }
0x167: {  	[sflag:s0] =	ssyncset.done $0x0  }
0x168: {  	[sflag:s0] =	ssyncadd.s32 $0xFFFFFF80;
	_ =	sdelay $0x2  }
0x169: {  	_ =	swait.ge [sflag:s0], $0x80  }
0x16a: {  	[sflag:s0] =	ssyncset.done $0x0  }
0x16b: {  	[sflag:s0] =	ssyncadd.s32 $0xFFFFFF80  }
0x16c: {  	_ =	strace $0x90000046  }
0x16d: {  	_ =	sfence  }
0x16e: {  	s28 =	sld [smem:$0x0];
	_ =	sdelay $0x1  }
0x16f: {  	s29 =	srdreg.scid  }
0x170: {  	s30 =	sshll.u32 s29, $0xD;
	s31 =	sshrl.u32 s29, $0x2  }
0x171: {  	s1 =	sand.u32 $0x1, s29;
	s2 =	sand.u32 $0x4000, s30;
	s0 =	sadd.s32 s31, s28  }
0x172: {  	s1 =	sor.u32 s2, s1;
	s0 =	sshll.u32 s0, $0x11  }
0x173: {  	s0 =	sor.u32 s0, s1  }
0x174: {  	s0 =	sadd.s32 $0x8F2B, s0;
	(pc) =	sbr.abs _section_cstart, $3  }
0x175: {  	[sflag:s0] =	ssyncadd.remote.s32 $0x1  }
0x176: {  	_ =	strace $0x9FFFFFFF  }
0x177: {  	(tm) =	ssettm $0x7FFFFFFF  }

</sc_bundles>
